<compile_context>
chip_gen: v7x
topology: tpu7x:2x2x1
jax: 0.10.2.dev20260603
libtpu: 0.0.44.dev20260713+nightly
codegen_flags: <defaults>
</compile_context>

<pallas_src>
import functools

import jax
import jax.numpy as jnp
from jax import lax
from jax.experimental import pallas as pl
from jax.experimental.pallas import tpu as pltpu
import jax.experimental.pallas.tpu_sc as plsc

N = 4096
K = 16
DG = 256
DPHI = 20
HID = 150
NC = 2
NS = 16
NW = NC * NS
B = N * K
TW = 256
CH = 128
MB = 256
PB = MB * K
DPAD = 64
NSLAB = 1


def _sc_gather(table, idx):
    nb = idx.shape[0]
    b_per_w = nb // NW
    n_chunks = b_per_w // CH
    mesh = plsc.VectorSubcoreMesh(core_axis_name="c", subcore_axis_name="s")

    @functools.partial(
        pl.kernel,
        out_type=jax.ShapeDtypeStruct((nb, TW), jnp.float32),
        mesh=mesh,
        scratch_types=[
            pltpu.VMEM((CH,), jnp.int32),
            pltpu.VMEM((CH, TW), jnp.float32),
            pltpu.SemaphoreType.DMA,
        ],
    )
    def gather_kernel(table_hbm, idx_hbm, out_hbm, idx_v, rows_v, sem):
        wid = lax.axis_index("s") * NC + lax.axis_index("c")

        def body(c, carry):
            base = wid * b_per_w + c * CH
            pltpu.sync_copy(idx_hbm.at[pl.ds(base, CH)], idx_v)
            pltpu.async_copy(table_hbm.at[idx_v], rows_v, sem).wait()
            pltpu.sync_copy(rows_v, out_hbm.at[pl.ds(base, CH)])
            return carry

        lax.fori_loop(0, n_chunks, body, None)

    return gather_kernel(table, idx)


def _tc_main_body(g_ref, s_ref, gen_ref, u_ref, dist_ref, spk_ref,
                  w1a_ref, w1b_ref, w1c_ref, w1d_ref, emb_ref, embg_ref,
                  w2_ref, w3_ref, b1_ref, b2_ref, b3_ref,
                  tlo_ref, thi_ref, e_ref, et_ref, ohk_ref, out_ref):
    f32 = jnp.float32
    dot = functools.partial(jnp.dot, preferred_element_type=f32)

    g = g_ref[...]
    w = lax.bitcast_convert_type(u_ref[:, :DG // 2], jnp.int32)
    ghi = lax.bitcast_convert_type(
        jnp.bitwise_and(w, jnp.int32(-65536)), f32)
    glo = lax.bitcast_convert_type(jnp.left_shift(w, 16), f32)
    gj = jnp.concatenate([ghi, glo], axis=1)
    gjb = gj.astype(jnp.bfloat16)
    sj = u_ref[:, DG // 2:DG // 2 + 1]
    E = e_ref[...]

    gexp = dot(E.astype(jnp.bfloat16), g.astype(jnp.bfloat16))
    prod = (gexp * gj).astype(jnp.bfloat16)
    h1 = dot(gjb, w1b_ref[...]) + dot(prod, w1c_ref[...])

    dist = dist_ref[...]
    ohd = jnp.logical_and(dist >= tlo_ref[...], dist < thi_ref[...])
    iota16 = lax.broadcasted_iota(jnp.int32, (PB, K), 1)
    ohs = iota16 == spk_ref[...] + 9
    oh2 = ohd.astype(f32) + ohs.astype(f32)

    ohg = (lax.broadcasted_iota(jnp.int32, (MB, 8), 1)
           == gen_ref[...]).astype(f32)
    a32 = (dot(g, w1a_ref[...]) + b1_ref[...]
           + dot(ohg, dot(embg_ref[...], w1d_ref[...])))
    tab16 = dot(emb_ref[...], w1d_ref[...])

    h1 = jnp.maximum(h1 + dot(E, a32) + dot(oh2, tab16), 0.0)
    h2 = jnp.maximum(dot(h1.astype(jnp.bfloat16), w2_ref[...])
                     + b2_ref[...], 0.0)
    s_ij = jnp.sum(h2 * w3_ref[...], axis=1, keepdims=True)
    s_i = dot(E, s_ref[...])
    score = s_ij + b3_ref[...] + s_i + sj

    smat = dot(et_ref[...], score * ohk_ref[...])
    m = jnp.maximum(jnp.max(smat, axis=1, keepdims=True), 0.0)
    e_exp = jnp.exp(smat - m)
    eps = jnp.exp(-m)
    den = jnp.sum(e_exp, axis=1, keepdims=True) + eps
    out_ref[...] = jnp.concatenate([e_exp, eps], axis=1) / den


def _tc_main(g_i, sc_m, genres2, u, dist2, spk2,
             w1a, w1b, w1c, w1d, emb, embg, w2, w3r, b1r, b2r, b3r,
             tlo, thi, e_mat, et_mat, ohk, interpret=False):
    nm = g_i.shape[0]
    grid = nm // MB
    full = lambda i: (0, 0)
    return pl.pallas_call(
        _tc_main_body,
        grid=(grid,),
        in_specs=[
            pl.BlockSpec((MB, DG), lambda i: (i, 0)),
            pl.BlockSpec((MB, 1), lambda i: (i, 0)),
            pl.BlockSpec((MB, 1), lambda i: (i, 0)),
            pl.BlockSpec((PB, TW), lambda i: (i, 0)),
            pl.BlockSpec((PB, 1), lambda i: (i, 0)),
            pl.BlockSpec((PB, 1), lambda i: (i, 0)),
            pl.BlockSpec((DG, HID), full),
            pl.BlockSpec((DG, HID), full),
            pl.BlockSpec((DG, HID), full),
            pl.BlockSpec((DPAD, HID), full),
            pl.BlockSpec((K, DPAD), full),
            pl.BlockSpec((8, DPAD), full),
            pl.BlockSpec((HID, HID), full),
            pl.BlockSpec((1, HID), full),
            pl.BlockSpec((1, HID), full),
            pl.BlockSpec((1, HID), full),
            pl.BlockSpec((1, 1), full),
            pl.BlockSpec((1, K), full),
            pl.BlockSpec((1, K), full),
            pl.BlockSpec((PB, MB), full),
            pl.BlockSpec((MB, PB), full),
            pl.BlockSpec((PB, K), full),
        ],
        out_specs=pl.BlockSpec((MB, K + 1), lambda i: (i, 0)),
        out_shape=jax.ShapeDtypeStruct((nm, K + 1), jnp.float32),
        compiler_params=pltpu.CompilerParams(
            dimension_semantics=("arbitrary",)),
        interpret=interpret,
    )(g_i, sc_m, genres2, u, dist2, spk2,
      w1a, w1b, w1c, w1d, emb, embg, w2, w3r, b1r, b2r, b3r,
      tlo, thi, e_mat, et_mat, ohk)


def kernel(g_i, mention_scores, antecedent_ids, distances, genres, speakers,
           dist_emb, genre_emb, speaker_emb, W1, b1, W2, b2, W3, b3):
    f32 = jnp.float32
    g_i = g_i.astype(f32)
    sc_m = mention_scores.astype(f32)

    ant_flat = antecedent_ids.reshape(-1).astype(jnp.int32)
    dist2 = distances.reshape(-1, 1).astype(jnp.int32)
    spk2 = speakers.reshape(-1, 1).astype(jnp.int32)
    genres2 = genres.reshape(-1, 1).astype(jnp.int32)

    gb = g_i.astype(jnp.bfloat16)
    hi = lax.bitcast_convert_type(gb[:, :DG // 2], jnp.uint16).astype(jnp.uint32)
    lo = lax.bitcast_convert_type(gb[:, DG // 2:], jnp.uint16).astype(jnp.uint32)
    packed = lax.bitcast_convert_type((hi << 16) | lo, f32)
    table = jnp.concatenate(
        [packed, sc_m, jnp.zeros((N, TW - DG // 2 - 1), f32)], axis=1)

    w1a = W1[:DG].astype(f32)
    w1b = W1[DG:2 * DG].astype(jnp.bfloat16)
    w1c = W1[2 * DG:3 * DG].astype(jnp.bfloat16)
    w1d = jnp.concatenate(
        [W1[3 * DG:].astype(f32), jnp.zeros((4, HID), f32)], axis=0)
    emb = jnp.zeros((K, DPAD), f32)
    emb = emb.at[:9, :DPHI].set(dist_emb.astype(f32))
    emb = emb.at[9:12, 2 * DPHI:3 * DPHI].set(speaker_emb.astype(f32))
    embg = jnp.zeros((8, DPAD), f32)
    embg = embg.at[:, DPHI:2 * DPHI].set(genre_emb.astype(f32))
    big = jnp.int32(2**30)
    tlo = jnp.asarray([[0, 1, 2, 3, 4, 8, 16, 32, 64,
                        big, big, big, big, big, big, big]], jnp.int32)
    thi = jnp.asarray([[1, 2, 3, 4, 8, 16, 32, 64, big,
                        0, 0, 0, 0, 0, 0, 0]], jnp.int32)

    e_mat = jnp.repeat(jnp.eye(MB, dtype=f32), K, axis=0)
    et_mat = e_mat.T
    ohk = jnp.tile(jnp.eye(K, dtype=f32), (MB, 1))

    b1r = b1.reshape(1, HID).astype(f32)
    b2r = b2.reshape(1, HID).astype(f32)
    b3r = b3.reshape(1, 1).astype(f32)
    w3r = W3.reshape(1, HID).astype(f32)

    w2f = W2.astype(jnp.bfloat16)
    nms = N // NSLAB
    nps = B // NSLAB
    outs = []
    for s in range(NSLAB):
        u = _sc_gather(table, lax.dynamic_slice_in_dim(ant_flat, s * nps, nps))
        outs.append(_tc_main(
            g_i[s * nms:(s + 1) * nms], sc_m[s * nms:(s + 1) * nms],
            genres2[s * nms:(s + 1) * nms], u,
            dist2[s * nps:(s + 1) * nps], spk2[s * nps:(s + 1) * nps],
            w1a, w1b, w1c, w1d, emb, embg, w2f, w3r, b1r, b2r, b3r,
            tlo, thi, e_mat, et_mat, ohk))
    return jnp.concatenate(outs, axis=0)

# --- scband reference (transcript-rebuilt; emitter-appended) ---
"""Pipeline reference for scband-pairwise-score-74208444941029 (READ-ONLY COPY).

The authoritative reference and input builder live on the scoring server;
editing this copy changes nothing except your own understanding.
"""

import jax, jax.numpy as jnp
import numpy as np

N = 4096      # number of candidate spans
K = 16        # antecedents per span
DG = 256      # span representation dim
DDIST = 20
DGEN = 20
DSPK = 20
HID = 150     # Score FFNN hidden dim (e2e-coref default)
GIJ = 3 * DG + DDIST + DGEN + DSPK  # 828


def setup_inputs(seed: int = 0) -> dict:
    key = jax.random.key(seed)
    ks = jax.random.split(key, 16)
    g_i = jax.random.normal(ks[0], (N, DG), dtype=jnp.float32)
    mention_scores = jax.random.normal(ks[1], (N, 1), dtype=jnp.float32)
    antecedent_ids = jax.random.randint(ks[2], (N, K), 0, N, dtype=jnp.int64 if jax.config.read('jax_enable_x64') else jnp.int32)
    distances = jax.random.randint(ks[3], (N, K), 0, 300)
    genres = jax.random.randint(ks[4], (N,), 0, 7)
    speakers = jax.random.randint(ks[5], (N, K), 0, 3)
    # learned parameters
    dist_emb = jax.random.normal(ks[6], (9, DDIST), dtype=jnp.float32) * 0.02   # Distance: len(bins)+1 = 9 buckets
    genre_emb = jax.random.normal(ks[7], (8, DGEN), dtype=jnp.float32) * 0.02   # Genre: 7 genres + 1
    speaker_emb = jax.random.normal(ks[8], (3, DSPK), dtype=jnp.float32) * 0.02 # Speaker: {unknown, same, diff}
    W1 = jax.random.normal(ks[9], (GIJ, HID), dtype=jnp.float32) / np.sqrt(GIJ)
    b1 = jnp.zeros((HID,), dtype=jnp.float32)
    W2 = jax.random.normal(ks[10], (HID, HID), dtype=jnp.float32) / np.sqrt(HID)
    b2 = jnp.zeros((HID,), dtype=jnp.float32)
    W3 = jax.random.normal(ks[11], (HID, 1), dtype=jnp.float32) / np.sqrt(HID)
    b3 = jnp.zeros((1,), dtype=jnp.float32)
    return {
        'g_i': g_i, 'mention_scores': mention_scores,
        'antecedent_ids': antecedent_ids, 'distances': distances,
        'genres': genres, 'speakers': speakers,
        'dist_emb': dist_emb, 'genre_emb': genre_emb, 'speaker_emb': speaker_emb,
        'W1': W1, 'b1': b1, 'W2': W2, 'b2': b2, 'W3': W3, 'b3': b3,
    }


def reference(g_i, mention_scores, antecedent_ids, distances, genres, speakers,
              dist_emb, genre_emb, speaker_emb, W1, b1, W2, b2, W3, b3):
    n, k = antecedent_ids.shape
    # Distance.stoi bucketing: bins = [1,2,3,4,8,16,32,64]
    bins = jnp.asarray([1, 2, 3, 4, 8, 16, 32, 64])
    d_idx = jnp.sum(distances[..., None] >= bins[None, None, :], axis=-1).reshape(-1)
    mention_ids = jnp.repeat(jnp.arange(n), k)          # pair list grouped by mention i
    ant_ids = antecedent_ids.reshape(-1)
    # phi = cat(distance_emb, genre_emb, speaker_emb)
    phi = jnp.concatenate([
        jnp.take(dist_emb, d_idx, axis=0),
        jnp.take(genre_emb, jnp.repeat(genres, k), axis=0),
        jnp.take(speaker_emb, speakers.reshape(-1), axis=0),
    ], axis=1)
    i_g = jnp.take(g_i, mention_ids, axis=0)
    j_g = jnp.take(g_i, ant_ids, axis=0)
    pairs = jnp.concatenate([i_g, j_g, i_g * j_g, phi], axis=1)   # [N*K, GIJ]
    # Score FFNN (dropout is identity at eval)
    h = jax.nn.relu(pairs @ W1 + b1)
    h = jax.nn.relu(h @ W2 + b2)
    s_ij = h @ W3 + b3                                            # [N*K, 1]
    s_i = jnp.take(mention_scores, mention_ids, axis=0)
    s_j = jnp.take(mention_scores, ant_ids, axis=0)
    coref_scores = (s_i + s_j + s_ij).reshape(n, k)               # sum over concatenated scores
    # append epsilon score 0.0 per mention, softmax over antecedents
    with_eps = jnp.concatenate([coref_scores, jnp.zeros((n, 1), coref_scores.dtype)], axis=1)
    probs = jax.nn.softmax(with_eps, axis=1)                      # [N, K+1]
    return probs

if __name__ == "__main__":
    import jax
    _d = setup_inputs()
    print(jax.jit(kernel)(*tuple(_d.values())))

</pallas_src>

<mosaic_0001>
#map = affine_map<(d0, d1) -> (0, 0)>
#map1 = affine_map<(d0, d1) -> (0)>
module attributes {stable_mosaic.version = 14 : i64} {
  func.func @gather_kernel(%arg0: i32, %arg1: i32, %arg2: memref<4096x256xf32, #tpu.memory_space<hbm>>, %arg3: memref<65536xi32, #tpu.memory_space<hbm>>, %arg4: memref<65536x256xf32, #tpu.memory_space<hbm>>, %arg5: memref<128xi32, #tpu.memory_space<vmem>>, %arg6: memref<128x256xf32, #tpu.memory_space<vmem>>, %arg7: memref<!tpu.dma_semaphore, #tpu.memory_space<semaphore_mem>>) attributes {dimension_semantics = [#tpu.dimension_semantics<core_parallel>, #tpu.dimension_semantics<subcore_parallel>], iteration_bounds = array<i64: 2, 16>, scalar_prefetch = 0 : i64, scratch_operands = 3 : i64, tpu.core_type = #tpu.core_type<sc_vector_subcore>, window_params = [{transform_indices = #map}, {transform_indices = #map1}, {transform_indices = #map}]} {
    %mul3A = arith.constant 2 : i32
    %mul3A_0 = arith.muli %arg1, %mul3A : i32
    %add3A = arith.addi %mul3A_0, %arg0 : i32
    %scan3A = arith.constant 0 : i32
    %scan3A_1 = arith.constant 16 : i32
    %scan3A_2 = arith.addi %scan3A, %scan3A_1 : i32
    %scan3A_3 = arith.constant 1 : i32
    scf.for %scan3A_5 = %scan3A to %scan3A_2 step %scan3A_3  : i32 {
      %mul3A_6 = arith.constant 2048 : i32
      %mul3A_7 = arith.muli %add3A, %mul3A_6 : i32
      %mul3A_8 = arith.constant 128 : i32
      %mul3A_9 = arith.muli %scan3A_5, %mul3A_8 : i32
      %add3A_10 = arith.addi %mul3A_7, %mul3A_9 : i32
      "tpu.region"() ({
        %run_scoped3A = tpu.sem_alloc : memref<!tpu.dma_semaphore, #tpu.memory_space<semaphore_mem>>
        %dma_start3A_15 = tpu.memref_slice %arg3[%add3A_10] : memref<65536xi32, #tpu.memory_space<hbm>> -> memref<128xi32, #tpu.memory_space<hbm>>
        %dma_start3A_16 = tpu.memref_slice %arg3[%add3A_10] : memref<65536xi32, #tpu.memory_space<hbm>> -> memref<128xi32, #tpu.memory_space<hbm>>
        tpu.enqueue_dma source(%dma_start3A_16 : memref<128xi32, #tpu.memory_space<hbm>>) target(%arg5 : memref<128xi32, #tpu.memory_space<vmem>>) target_semaphore(%run_scoped3A : memref<!tpu.dma_semaphore, #tpu.memory_space<semaphore_mem>>)
        %dma_wait3A_17 = tpu.memref_slice %arg3[%add3A_10] : memref<65536xi32, #tpu.memory_space<hbm>> -> memref<128xi32, #tpu.memory_space<hbm>>
        %dma_wait3A_18 = tpu.memref_slice %arg3[%add3A_10] : memref<65536xi32, #tpu.memory_space<hbm>> -> memref<128xi32, #tpu.memory_space<hbm>>
        tpu.wait_dma2 semaphore(%run_scoped3A : memref<!tpu.dma_semaphore, #tpu.memory_space<semaphore_mem>>) src(%dma_wait3A_18 : memref<128xi32, #tpu.memory_space<hbm>>) dst(%arg5 : memref<128xi32, #tpu.memory_space<vmem>>)
        tpu.yield
      }) : () -> ()
      %dma_start3A = arith.constant 0 : i32
      %dma_start3A_11 = arith.constant 0 : i32
      %dma_start3A_12 = tpu.memref_slice %arg2[%dma_start3A, %dma_start3A_11] : memref<4096x256xf32, #tpu.memory_space<hbm>> -> memref<4096x256xf32, #tpu.memory_space<hbm>>
      tpu.enqueue_indirect_dma source(%dma_start3A_12 : memref<4096x256xf32, #tpu.memory_space<hbm>>) target(%arg6 : memref<128x256xf32, #tpu.memory_space<vmem>>) offsets(%arg5 : memref<128xi32, #tpu.memory_space<vmem>>) semaphore(%arg7 : memref<!tpu.dma_semaphore, #tpu.memory_space<semaphore_mem>>)
      %dma_wait3A = arith.constant 0 : i32
      %dma_wait3A_13 = arith.constant 0 : i32
      %dma_wait3A_14 = tpu.memref_slice %arg2[%dma_wait3A, %dma_wait3A_13] : memref<4096x256xf32, #tpu.memory_space<hbm>> -> memref<4096x256xf32, #tpu.memory_space<hbm>>
      tpu.wait_indirect_dma semaphore(%arg7 : memref<!tpu.dma_semaphore, #tpu.memory_space<semaphore_mem>>) src(%dma_wait3A_14 : memref<4096x256xf32, #tpu.memory_space<hbm>>) dst(%arg6 : memref<128x256xf32, #tpu.memory_space<vmem>>)
      "tpu.region"() ({
        %run_scoped3A = tpu.sem_alloc : memref<!tpu.dma_semaphore, #tpu.memory_space<semaphore_mem>>
        %dma_start3A_15 = arith.constant 0 : i32
        %dma_start3A_16 = tpu.memref_slice %arg4[%add3A_10, %dma_start3A_15] : memref<65536x256xf32, #tpu.memory_space<hbm>> -> memref<128x256xf32, #tpu.memory_space<hbm>>
        %dma_start3A_17 = arith.constant 0 : i32
        %dma_start3A_18 = tpu.memref_slice %arg4[%add3A_10, %dma_start3A_17] : memref<65536x256xf32, #tpu.memory_space<hbm>> -> memref<128x256xf32, #tpu.memory_space<hbm>>
        tpu.enqueue_dma source(%arg6 : memref<128x256xf32, #tpu.memory_space<vmem>>) target(%dma_start3A_18 : memref<128x256xf32, #tpu.memory_space<hbm>>) target_semaphore(%run_scoped3A : memref<!tpu.dma_semaphore, #tpu.memory_space<semaphore_mem>>)
        %dma_wait3A_19 = arith.constant 0 : i32
        %dma_wait3A_20 = tpu.memref_slice %arg4[%add3A_10, %dma_wait3A_19] : memref<65536x256xf32, #tpu.memory_space<hbm>> -> memref<128x256xf32, #tpu.memory_space<hbm>>
        %dma_wait3A_21 = arith.constant 0 : i32
        %dma_wait3A_22 = tpu.memref_slice %arg4[%add3A_10, %dma_wait3A_21] : memref<65536x256xf32, #tpu.memory_space<hbm>> -> memref<128x256xf32, #tpu.memory_space<hbm>>
        tpu.wait_dma2 semaphore(%run_scoped3A : memref<!tpu.dma_semaphore, #tpu.memory_space<semaphore_mem>>) src(%arg6 : memref<128x256xf32, #tpu.memory_space<vmem>>) dst(%dma_wait3A_22 : memref<128x256xf32, #tpu.memory_space<hbm>>)
        tpu.yield
      }) : () -> ()
    }
    %scan3A_4 = arith.constant 16 : i32
    return
  }
}

module attributes {stable_mosaic.version = 14 : i64} {
  func.func @_tc_main_body(%arg0: i32, %arg1: memref<256x256xf32, #tpu.memory_space<vmem>>, %arg2: memref<256x1xf32, #tpu.memory_space<vmem>>, %arg3: memref<256x1xi32, #tpu.memory_space<vmem>>, %arg4: memref<4096x256xf32, #tpu.memory_space<vmem>>, %arg5: memref<4096x1xi32, #tpu.memory_space<vmem>>, %arg6: memref<4096x1xi32, #tpu.memory_space<vmem>>, %arg7: memref<256x150xf32, #tpu.memory_space<vmem>>, %arg8: memref<256x150xbf16, #tpu.memory_space<vmem>>, %arg9: memref<256x150xbf16, #tpu.memory_space<vmem>>, %arg10: memref<64x150xf32, #tpu.memory_space<vmem>>, %arg11: memref<16x64xf32, #tpu.memory_space<vmem>>, %arg12: memref<8x64xf32, #tpu.memory_space<vmem>>, %arg13: memref<150x150xbf16, #tpu.memory_space<vmem>>, %arg14: memref<1x150xf32, #tpu.memory_space<vmem>>, %arg15: memref<1x150xf32, #tpu.memory_space<vmem>>, %arg16: memref<1x150xf32, #tpu.memory_space<vmem>>, %arg17: memref<1x1xf32, #tpu.memory_space<vmem>>, %arg18: memref<1x16xi32, #tpu.memory_space<vmem>>, %arg19: memref<1x16xi32, #tpu.memory_space<vmem>>, %arg20: memref<4096x256xf32, #tpu.memory_space<vmem>>, %arg21: memref<256x4096xf32, #tpu.memory_space<vmem>>, %arg22: memref<4096x16xf32, #tpu.memory_space<vmem>>, %arg23: memref<256x17xf32, #tpu.memory_space<vmem>>) attributes {dimension_semantics = [#tpu.dimension_semantics<arbitrary>], iteration_bounds = array<i64: 16>, scalar_prefetch = 0 : i64, scratch_operands = 0 : i64, tpu.core_type = #tpu.core_type<tc>, window_params = [{transform_indices = @transform_0, window_bounds = array<i64: 256, 256>}, {transform_indices = @transform_1, window_bounds = array<i64: 256, 1>}, {transform_indices = @transform_2, window_bounds = array<i64: 256, 1>}, {transform_indices = @transform_3, window_bounds = array<i64: 4096, 256>}, {transform_indices = @transform_4, window_bounds = array<i64: 4096, 1>}, {transform_indices = @transform_5, window_bounds = array<i64: 4096, 1>}, {pipeline_mode = #tpu.pipeline_mode<synchronous>, transform_indices = @transform_6, window_bounds = array<i64: 256, 150>}, {pipeline_mode = #tpu.pipeline_mode<synchronous>, transform_indices = @transform_7, window_bounds = array<i64: 256, 150>}, {pipeline_mode = #tpu.pipeline_mode<synchronous>, transform_indices = @transform_8, window_bounds = array<i64: 256, 150>}, {pipeline_mode = #tpu.pipeline_mode<synchronous>, transform_indices = @transform_9, window_bounds = array<i64: 64, 150>}, {pipeline_mode = #tpu.pipeline_mode<synchronous>, transform_indices = @transform_10, window_bounds = array<i64: 16, 64>}, {pipeline_mode = #tpu.pipeline_mode<synchronous>, transform_indices = @transform_11, window_bounds = array<i64: 8, 64>}, {pipeline_mode = #tpu.pipeline_mode<synchronous>, transform_indices = @transform_12, window_bounds = array<i64: 150, 150>}, {pipeline_mode = #tpu.pipeline_mode<synchronous>, transform_indices = @transform_13, window_bounds = array<i64: 1, 150>}, {pipeline_mode = #tpu.pipeline_mode<synchronous>, transform_indices = @transform_14, window_bounds = array<i64: 1, 150>}, {pipeline_mode = #tpu.pipeline_mode<synchronous>, transform_indices = @transform_15, window_bounds = array<i64: 1, 150>}, {pipeline_mode = #tpu.pipeline_mode<synchronous>, transform_indices = @transform_16, window_bounds = array<i64: 1, 1>}, {pipeline_mode = #tpu.pipeline_mode<synchronous>, transform_indices = @transform_17, window_bounds = array<i64: 1, 16>}, {pipeline_mode = #tpu.pipeline_mode<synchronous>, transform_indices = @transform_18, window_bounds = array<i64: 1, 16>}, {pipeline_mode = #tpu.pipeline_mode<synchronous>, transform_indices = @transform_19, window_bounds = array<i64: 4096, 256>}, {pipeline_mode = #tpu.pipeline_mode<synchronous>, transform_indices = @transform_20, window_bounds = array<i64: 256, 4096>}, {pipeline_mode = #tpu.pipeline_mode<synchronous>, transform_indices = @transform_21, window_bounds = array<i64: 4096, 16>}, {transform_indices = @transform_22, window_bounds = array<i64: 256, 17>}]} {
    %get3A = arith.constant 0 : index
    %get3A_0 = arith.constant 0 : index
    %get3A_1 = vector.load %arg1[%get3A, %get3A_0] : memref<256x256xf32, #tpu.memory_space<vmem>>, vector<256x256xf32>
    %get3A_2 = arith.constant 0 : index
    %get3A_3 = arith.constant 0 : index
    %get3A_4 = vector.load %arg4[%get3A_2, %get3A_3] : memref<4096x256xf32, #tpu.memory_space<vmem>>, vector<4096x128xf32>
    %bitcast_convert_type3A = tpu.bitcast %get3A_4 : vector<4096x128xf32> -> vector<4096x128xi32>
    %and3A = arith.constant -65536 : i32
    %and3A_5 = vector.broadcast %and3A : i32 to vector<4096x128xi32>
    %and3A_6 = arith.andi %bitcast_convert_type3A, %and3A_5 : vector<4096x128xi32>
    %bitcast_convert_type3A_7 = tpu.bitcast %and3A_6 : vector<4096x128xi32> -> vector<4096x128xf32>
    %shift_left3A = arith.constant 16 : i32
    %shift_left3A_8 = vector.broadcast %shift_left3A : i32 to vector<4096x128xi32>
    %shift_left3A_9 = arith.shli %bitcast_convert_type3A, %shift_left3A_8 : vector<4096x128xi32>
    %bitcast_convert_type3A_10 = tpu.bitcast %shift_left3A_9 : vector<4096x128xi32> -> vector<4096x128xf32>
    %concatenate3A = tpu.concatenate %bitcast_convert_type3A_7, %bitcast_convert_type3A_10 in 1 : vector<4096x128xf32>, vector<4096x128xf32> -> vector<4096x256xf32>
    %convert_element_type3A = arith.truncf %concatenate3A : vector<4096x256xf32> to vector<4096x256xbf16>
    %get3A_11 = arith.constant 0 : index
    %get3A_12 = arith.constant 128 : index
    %get3A_13 = vector.load %arg4[%get3A_11, %get3A_12] : memref<4096x256xf32, #tpu.memory_space<vmem>>, vector<4096x1xf32>
    %get3A_14 = arith.constant 0 : index
    %get3A_15 = arith.constant 0 : index
    %get3A_16 = vector.load %arg20[%get3A_14, %get3A_15] : memref<4096x256xf32, #tpu.memory_space<vmem>>, vector<4096x256xf32>
    %convert_element_type3A_17 = arith.truncf %get3A_16 : vector<4096x256xf32> to vector<4096x256xbf16>
    %convert_element_type3A_18 = arith.truncf %get3A_1 : vector<256x256xf32> to vector<256x256xbf16>
    %dot_general3A = arith.constant dense<0.000000e+00> : vector<4096x256xf32>
    %dot_general3A_19 = tpu.matmul %convert_element_type3A_17, %convert_element_type3A_18, %dot_general3A {dimension_numbers = #tpu.dot_dimension_numbers<[1], [0], [0], [1], [0, 0, 1, 1], [], []>, transpose_lhs_hint = false} : vector<4096x256xbf16>, vector<256x256xbf16>, vector<4096x256xf32> -> vector<4096x256xf32>
    %mul3A = arith.mulf %dot_general3A_19, %concatenate3A : vector<4096x256xf32>
    %convert_element_type3A_20 = arith.truncf %mul3A : vector<4096x256xf32> to vector<4096x256xbf16>
    %get3A_21 = arith.constant 0 : index
    %get3A_22 = arith.constant 0 : index
    %get3A_23 = vector.load %arg8[%get3A_21, %get3A_22] : memref<256x150xbf16, #tpu.memory_space<vmem>>, vector<256x150xbf16>
    %dot_general3A_24 = arith.constant dense<0.000000e+00> : vector<4096x150xf32>
    %dot_general3A_25 = tpu.matmul %convert_element_type3A, %get3A_23, %dot_general3A_24 {dimension_numbers = #tpu.dot_dimension_numbers<[1], [0], [0], [1], [0, 0, 1, 1], [], []>, transpose_lhs_hint = false} : vector<4096x256xbf16>, vector<256x150xbf16>, vector<4096x150xf32> -> vector<4096x150xf32>
    %get3A_26 = arith.constant 0 : index
    %get3A_27 = arith.constant 0 : index
    %get3A_28 = vector.load %arg9[%get3A_26, %get3A_27] : memref<256x150xbf16, #tpu.memory_space<vmem>>, vector<256x150xbf16>
    %dot_general3A_29 = arith.constant dense<0.000000e+00> : vector<4096x150xf32>
    %dot_general3A_30 = tpu.matmul %convert_element_type3A_20, %get3A_28, %dot_general3A_29 {dimension_numbers = #tpu.dot_dimension_numbers<[1], [0], [0], [1], [0, 0, 1, 1], [], []>, transpose_lhs_hint = false} : vector<4096x256xbf16>, vector<256x150xbf16>, vector<4096x150xf32> -> vector<4096x150xf32>
    %add3A = arith.addf %dot_general3A_25, %dot_general3A_30 : vector<4096x150xf32>
    %get3A_31 = arith.constant 0 : index
    %get3A_32 = arith.constant 0 : index
    %get3A_33 = vector.load %arg5[%get3A_31, %get3A_32] : memref<4096x1xi32, #tpu.memory_space<vmem>>, vector<4096x1xi32>
    %get3A_34 = arith.constant 0 : index
    %get3A_35 = arith.constant 0 : index
    %get3A_36 = vector.load %arg18[%get3A_34, %get3A_35] : memref<1x16xi32, #tpu.memory_space<vmem>>, vector<1x16xi32>
    %ge3A = vector.broadcast %get3A_33 : vector<4096x1xi32> to vector<4096x16xi32>
    %ge3A_37 = vector.broadcast %get3A_36 : vector<1x16xi32> to vector<4096x16xi32>
    %ge3A_38 = arith.cmpi sge, %ge3A, %ge3A_37 : vector<4096x16xi32>
    %get3A_39 = arith.constant 0 : index
    %get3A_40 = arith.constant 0 : index
    %get3A_41 = vector.load %arg19[%get3A_39, %get3A_40] : memref<1x16xi32, #tpu.memory_space<vmem>>, vector<1x16xi32>
    %lt3A = vector.broadcast %get3A_33 : vector<4096x1xi32> to vector<4096x16xi32>
    %lt3A_42 = vector.broadcast %get3A_41 : vector<1x16xi32> to vector<4096x16xi32>
    %lt3A_43 = arith.cmpi slt, %lt3A, %lt3A_42 : vector<4096x16xi32>
    %and3A_44 = arith.andi %ge3A_38, %lt3A_43 : vector<4096x16xi1>
    %iota3A = tpu.iota {dimensions = array<i32: 1>} : vector<4096x16xi32>
    %get3A_45 = arith.constant 0 : index
    %get3A_46 = arith.constant 0 : index
    %get3A_47 = vector.load %arg6[%get3A_45, %get3A_46] : memref<4096x1xi32, #tpu.memory_space<vmem>>, vector<4096x1xi32>
    %add3A_48 = arith.constant 9 : i32
    %add3A_49 = vector.broadcast %add3A_48 : i32 to vector<4096x1xi32>
    %add3A_50 = arith.addi %get3A_47, %add3A_49 : vector<4096x1xi32>
    %eq3A = vector.broadcast %add3A_50 : vector<4096x1xi32> to vector<4096x16xi32>
    %eq3A_51 = arith.cmpi eq, %iota3A, %eq3A : vector<4096x16xi32>
    %convert_element_type3A_52 = arith.extui %and3A_44 : vector<4096x16xi1> to vector<4096x16xi32>
    %convert_element_type3A_53 = arith.sitofp %convert_element_type3A_52 : vector<4096x16xi32> to vector<4096x16xf32>
    %convert_element_type3A_54 = arith.extui %eq3A_51 : vector<4096x16xi1> to vector<4096x16xi32>
    %convert_element_type3A_55 = arith.sitofp %convert_element_type3A_54 : vector<4096x16xi32> to vector<4096x16xf32>
    %add3A_56 = arith.addf %convert_element_type3A_53, %convert_element_type3A_55 : vector<4096x16xf32>
    %iota3A_57 = tpu.iota {dimensions = array<i32: 1>} : vector<256x8xi32>
    %get3A_58 = arith.constant 0 : index
    %get3A_59 = arith.constant 0 : index
    %get3A_60 = vector.load %arg3[%get3A_58, %get3A_59] : memref<256x1xi32, #tpu.memory_space<vmem>>, vector<256x1xi32>
    %eq3A_61 = vector.broadcast %get3A_60 : vector<256x1xi32> to vector<256x8xi32>
    %eq3A_62 = arith.cmpi eq, %iota3A_57, %eq3A_61 : vector<256x8xi32>
    %convert_element_type3A_63 = arith.extui %eq3A_62 : vector<256x8xi1> to vector<256x8xi32>
    %convert_element_type3A_64 = arith.sitofp %convert_element_type3A_63 : vector<256x8xi32> to vector<256x8xf32>
    %get3A_65 = arith.constant 0 : index
    %get3A_66 = arith.constant 0 : index
    %get3A_67 = vector.load %arg7[%get3A_65, %get3A_66] : memref<256x150xf32, #tpu.memory_space<vmem>>, vector<256x150xf32>
    %dot_general3A_68 = arith.constant dense<0.000000e+00> : vector<256x150xf32>
    %dot_general3A_69 = tpu.matmul %get3A_1, %get3A_67, %dot_general3A_68 {dimension_numbers = #tpu.dot_dimension_numbers<[1], [0], [0], [1], [0, 0, 1, 1], [], []>, transpose_lhs_hint = false} : vector<256x256xf32>, vector<256x150xf32>, vector<256x150xf32> -> vector<256x150xf32>
    %get3A_70 = arith.constant 0 : index
    %get3A_71 = arith.constant 0 : index
    %get3A_72 = vector.load %arg15[%get3A_70, %get3A_71] : memref<1x150xf32, #tpu.memory_space<vmem>>, vector<1x150xf32>
    %add3A_73 = vector.broadcast %get3A_72 : vector<1x150xf32> to vector<256x150xf32>
    %add3A_74 = arith.addf %dot_general3A_69, %add3A_73 : vector<256x150xf32>
    %get3A_75 = arith.constant 0 : index
    %get3A_76 = arith.constant 0 : index
    %get3A_77 = vector.load %arg12[%get3A_75, %get3A_76] : memref<8x64xf32, #tpu.memory_space<vmem>>, vector<8x64xf32>
    %get3A_78 = arith.constant 0 : index
    %get3A_79 = arith.constant 0 : index
    %get3A_80 = vector.load %arg10[%get3A_78, %get3A_79] : memref<64x150xf32, #tpu.memory_space<vmem>>, vector<64x150xf32>
    %dot_general3A_81 = arith.constant dense<0.000000e+00> : vector<8x150xf32>
    %dot_general3A_82 = tpu.matmul %get3A_77, %get3A_80, %dot_general3A_81 {dimension_numbers = #tpu.dot_dimension_numbers<[1], [0], [0], [1], [0, 0, 1, 1], [], []>, transpose_lhs_hint = false} : vector<8x64xf32>, vector<64x150xf32>, vector<8x150xf32> -> vector<8x150xf32>
    %dot_general3A_83 = arith.constant dense<0.000000e+00> : vector<256x150xf32>
    %dot_general3A_84 = tpu.matmul %convert_element_type3A_64, %dot_general3A_82, %dot_general3A_83 {dimension_numbers = #tpu.dot_dimension_numbers<[1], [0], [0], [1], [0, 0, 1, 1], [], []>, transpose_lhs_hint = false} : vector<256x8xf32>, vector<8x150xf32>, vector<256x150xf32> -> vector<256x150xf32>
    %add3A_85 = arith.addf %add3A_74, %dot_general3A_84 : vector<256x150xf32>
    %get3A_86 = arith.constant 0 : index
    %get3A_87 = arith.constant 0 : index
    %get3A_88 = vector.load %arg11[%get3A_86, %get3A_87] : memref<16x64xf32, #tpu.memory_space<vmem>>, vector<16x64xf32>
    %get3A_89 = arith.constant 0 : index
    %get3A_90 = arith.constant 0 : index
    %get3A_91 = vector.load %arg10[%get3A_89, %get3A_90] : memref<64x150xf32, #tpu.memory_space<vmem>>, vector<64x150xf32>
    %dot_general3A_92 = arith.constant dense<0.000000e+00> : vector<16x150xf32>
    %dot_general3A_93 = tpu.matmul %get3A_88, %get3A_91, %dot_general3A_92 {dimension_numbers = #tpu.dot_dimension_numbers<[1], [0], [0], [1], [0, 0, 1, 1], [], []>, transpose_lhs_hint = false} : vector<16x64xf32>, vector<64x150xf32>, vector<16x150xf32> -> vector<16x150xf32>
    %dot_general3A_94 = arith.constant dense<0.000000e+00> : vector<4096x150xf32>
    %dot_general3A_95 = tpu.matmul %get3A_16, %add3A_85, %dot_general3A_94 {dimension_numbers = #tpu.dot_dimension_numbers<[1], [0], [0], [1], [0, 0, 1, 1], [], []>, transpose_lhs_hint = false} : vector<4096x256xf32>, vector<256x150xf32>, vector<4096x150xf32> -> vector<4096x150xf32>
    %add3A_96 = arith.addf %add3A, %dot_general3A_95 : vector<4096x150xf32>
    %dot_general3A_97 = arith.constant dense<0.000000e+00> : vector<4096x150xf32>
    %dot_general3A_98 = tpu.matmul %add3A_56, %dot_general3A_93, %dot_general3A_97 {dimension_numbers = #tpu.dot_dimension_numbers<[1], [0], [0], [1], [0, 0, 1, 1], [], []>, transpose_lhs_hint = false} : vector<4096x16xf32>, vector<16x150xf32>, vector<4096x150xf32> -> vector<4096x150xf32>
    %add3A_99 = arith.addf %add3A_96, %dot_general3A_98 : vector<4096x150xf32>
    %max3A = arith.constant 0.000000e+00 : f32
    %max3A_100 = vector.broadcast %max3A : f32 to vector<4096x150xf32>
    %max3A_101 = arith.maximumf %add3A_99, %max3A_100 : vector<4096x150xf32>
    %convert_element_type3A_102 = arith.truncf %max3A_101 : vector<4096x150xf32> to vector<4096x150xbf16>
    %get3A_103 = arith.constant 0 : index
    %get3A_104 = arith.constant 0 : index
    %get3A_105 = vector.load %arg13[%get3A_103, %get3A_104] : memref<150x150xbf16, #tpu.memory_space<vmem>>, vector<150x150xbf16>
    %dot_general3A_106 = arith.constant dense<0.000000e+00> : vector<4096x150xf32>
    %dot_general3A_107 = tpu.matmul %convert_element_type3A_102, %get3A_105, %dot_general3A_106 {dimension_numbers = #tpu.dot_dimension_numbers<[1], [0], [0], [1], [0, 0, 1, 1], [], []>, transpose_lhs_hint = false} : vector<4096x150xbf16>, vector<150x150xbf16>, vector<4096x150xf32> -> vector<4096x150xf32>
    %get3A_108 = arith.constant 0 : index
    %get3A_109 = arith.constant 0 : index
    %get3A_110 = vector.load %arg16[%get3A_108, %get3A_109] : memref<1x150xf32, #tpu.memory_space<vmem>>, vector<1x150xf32>
    %add3A_111 = vector.broadcast %get3A_110 : vector<1x150xf32> to vector<4096x150xf32>
    %add3A_112 = arith.addf %dot_general3A_107, %add3A_111 : vector<4096x150xf32>
    %max3A_113 = arith.constant 0.000000e+00 : f32
    %max3A_114 = vector.broadcast %max3A_113 : f32 to vector<4096x150xf32>
    %max3A_115 = arith.maximumf %add3A_112, %max3A_114 : vector<4096x150xf32>
    %get3A_116 = arith.constant 0 : index
    %get3A_117 = arith.constant 0 : index
    %get3A_118 = vector.load %arg14[%get3A_116, %get3A_117] : memref<1x150xf32, #tpu.memory_space<vmem>>, vector<1x150xf32>
    %mul3A_119 = vector.broadcast %get3A_118 : vector<1x150xf32> to vector<4096x150xf32>
    %mul3A_120 = arith.mulf %max3A_115, %mul3A_119 : vector<4096x150xf32>
    %reduce_sum3A = arith.constant dense<0.000000e+00> : vector<4096xf32>
    %reduce_sum3A_121 = vector.multi_reduction <add>, %mul3A_120, %reduce_sum3A [1] : vector<4096x150xf32> to vector<4096xf32>
    %broadcast_in_dim3A = vector.shape_cast %reduce_sum3A_121 : vector<4096xf32> to vector<4096x1xf32>
    %get3A_122 = arith.constant 0 : index
    %get3A_123 = arith.constant 0 : index
    %get3A_124 = vector.load %arg2[%get3A_122, %get3A_123] : memref<256x1xf32, #tpu.memory_space<vmem>>, vector<256x1xf32>
    %dot_general3A_125 = arith.constant dense<0.000000e+00> : vector<4096x1xf32>
    %dot_general3A_126 = tpu.matmul %get3A_16, %get3A_124, %dot_general3A_125 {dimension_numbers = #tpu.dot_dimension_numbers<[1], [0], [0], [1], [0, 0, 1, 1], [], []>, transpose_lhs_hint = false} : vector<4096x256xf32>, vector<256x1xf32>, vector<4096x1xf32> -> vector<4096x1xf32>
    %get3A_127 = arith.constant 0 : index
    %get3A_128 = arith.constant 0 : index
    %get3A_129 = vector.load %arg17[%get3A_127, %get3A_128] : memref<1x1xf32, #tpu.memory_space<vmem>>, vector<1x1xf32>
    %add3A_130 = vector.broadcast %get3A_129 : vector<1x1xf32> to vector<4096x1xf32>
    %add3A_131 = arith.addf %broadcast_in_dim3A, %add3A_130 : vector<4096x1xf32>
    %add3A_132 = arith.addf %add3A_131, %dot_general3A_126 : vector<4096x1xf32>
    %add3A_133 = arith.addf %add3A_132, %get3A_13 : vector<4096x1xf32>
    %get3A_134 = arith.constant 0 : index
    %get3A_135 = arith.constant 0 : index
    %get3A_136 = vector.load %arg21[%get3A_134, %get3A_135] : memref<256x4096xf32, #tpu.memory_space<vmem>>, vector<256x4096xf32>
    %get3A_137 = arith.constant 0 : index
    %get3A_138 = arith.constant 0 : index
    %get3A_139 = vector.load %arg22[%get3A_137, %get3A_138] : memref<4096x16xf32, #tpu.memory_space<vmem>>, vector<4096x16xf32>
    %mul3A_140 = vector.broadcast %add3A_133 : vector<4096x1xf32> to vector<4096x16xf32>
    %mul3A_141 = arith.mulf %mul3A_140, %get3A_139 : vector<4096x16xf32>
    %dot_general3A_142 = arith.constant dense<0.000000e+00> : vector<256x16xf32>
    %dot_general3A_143 = tpu.matmul %get3A_136, %mul3A_141, %dot_general3A_142 {dimension_numbers = #tpu.dot_dimension_numbers<[1], [0], [0], [1], [0, 0, 1, 1], [], []>, transpose_lhs_hint = false} : vector<256x4096xf32>, vector<4096x16xf32>, vector<256x16xf32> -> vector<256x16xf32>
    %reduce_max3A = arith.constant dense<0xFF800000> : vector<256xf32>
    %reduce_max3A_144 = vector.multi_reduction <maximumf>, %dot_general3A_143, %reduce_max3A [1] : vector<256x16xf32> to vector<256xf32>
    %broadcast_in_dim3A_145 = vector.shape_cast %reduce_max3A_144 : vector<256xf32> to vector<256x1xf32>
    %max3A_146 = arith.constant 0.000000e+00 : f32
    %max3A_147 = vector.broadcast %max3A_146 : f32 to vector<256x1xf32>
    %max3A_148 = arith.maximumf %broadcast_in_dim3A_145, %max3A_147 : vector<256x1xf32>
    %sub3A = vector.broadcast %max3A_148 : vector<256x1xf32> to vector<256x16xf32>
    %sub3A_149 = arith.subf %dot_general3A_143, %sub3A : vector<256x16xf32>
    %exp3A = math.exp %sub3A_149 : vector<256x16xf32>
    %neg3A = arith.constant 0.000000e+00 : f32
    %neg3A_150 = vector.broadcast %neg3A : f32 to vector<256x1xf32>
    %neg3A_151 = arith.subf %neg3A_150, %max3A_148 : vector<256x1xf32>
    %exp3A_152 = math.exp %neg3A_151 : vector<256x1xf32>
    %reduce_sum3A_153 = arith.constant dense<0.000000e+00> : vector<256xf32>
    %reduce_sum3A_154 = vector.multi_reduction <add>, %exp3A, %reduce_sum3A_153 [1] : vector<256x16xf32> to vector<256xf32>
    %broadcast_in_dim3A_155 = vector.shape_cast %reduce_sum3A_154 : vector<256xf32> to vector<256x1xf32>
    %add3A_156 = arith.addf %broadcast_in_dim3A_155, %exp3A_152 : vector<256x1xf32>
    %concatenate3A_157 = tpu.concatenate %exp3A, %exp3A_152 in 1 : vector<256x16xf32>, vector<256x1xf32> -> vector<256x17xf32>
    %div3A = vector.broadcast %add3A_156 : vector<256x1xf32> to vector<256x17xf32>
    %div3A_158 = arith.divf %concatenate3A_157, %div3A : vector<256x17xf32>
    %swap3A = arith.constant 0 : index
    %swap3A_159 = arith.constant 0 : index
    %swap3A_160 = vector.load %arg23[%swap3A, %swap3A_159] : memref<256x17xf32, #tpu.memory_space<vmem>>, vector<256x17xf32>
    tpu.vector_store %arg23[%swap3A, %swap3A_159], %div3A_158 {strides = array<i32>} : memref<256x17xf32, #tpu.memory_space<vmem>>, vector<256x17xf32>,
    return
  }
  func.func @transform_0(%arg0: i32) -> (i32, i32) {
    %c0_i32 = arith.constant 0 : i32
    %c0_i32_0 = arith.constant 0 : i32
    return %arg0, %c0_i32 : i32, i32
  }
  func.func @transform_1(%arg0: i32) -> (i32, i32) {
    %c0_i32 = arith.constant 0 : i32
    %c0_i32_0 = arith.constant 0 : i32
    return %arg0, %c0_i32 : i32, i32
  }
  func.func @transform_2(%arg0: i32) -> (i32, i32) {
    %c0_i32 = arith.constant 0 : i32
    %c0_i32_0 = arith.constant 0 : i32
    return %arg0, %c0_i32 : i32, i32
  }
  func.func @transform_3(%arg0: i32) -> (i32, i32) {
    %c0_i32 = arith.constant 0 : i32
    %c0_i32_0 = arith.constant 0 : i32
    return %arg0, %c0_i32 : i32, i32
  }
  func.func @transform_4(%arg0: i32) -> (i32, i32) {
    %c0_i32 = arith.constant 0 : i32
    %c0_i32_0 = arith.constant 0 : i32
    return %arg0, %c0_i32 : i32, i32
  }
  func.func @transform_5(%arg0: i32) -> (i32, i32) {
    %c0_i32 = arith.constant 0 : i32
    %c0_i32_0 = arith.constant 0 : i32
    return %arg0, %c0_i32 : i32, i32
  }
  func.func @transform_6(%arg0: i32) -> (i32, i32) {
    %c0_i32 = arith.constant 0 : i32
    %c0_i32_0 = arith.constant 0 : i32
    %c0_i32_1 = arith.constant 0 : i32
    return %c0_i32, %c0_i32_0 : i32, i32
  }
  func.func @transform_7(%arg0: i32) -> (i32, i32) {
    %c0_i32 = arith.constant 0 : i32
    %c0_i32_0 = arith.constant 0 : i32
    %c0_i32_1 = arith.constant 0 : i32
    return %c0_i32, %c0_i32_0 : i32, i32
  }
  func.func @transform_8(%arg0: i32) -> (i32, i32) {
    %c0_i32 = arith.constant 0 : i32
    %c0_i32_0 = arith.constant 0 : i32
    %c0_i32_1 = arith.constant 0 : i32
    return %c0_i32, %c0_i32_0 : i32, i32
  }
  func.func @transform_9(%arg0: i32) -> (i32, i32) {
    %c0_i32 = arith.constant 0 : i32
    %c0_i32_0 = arith.constant 0 : i32
    %c0_i32_1 = arith.constant 0 : i32
    return %c0_i32, %c0_i32_0 : i32, i32
  }
  func.func @transform_10(%arg0: i32) -> (i32, i32) {
    %c0_i32 = arith.constant 0 : i32
    %c0_i32_0 = arith.constant 0 : i32
    %c0_i32_1 = arith.constant 0 : i32
    return %c0_i32, %c0_i32_0 : i32, i32
  }
  func.func @transform_11(%arg0: i32) -> (i32, i32) {
    %c0_i32 = arith.constant 0 : i32
    %c0_i32_0 = arith.constant 0 : i32
    %c0_i32_1 = arith.constant 0 : i32
    return %c0_i32, %c0_i32_0 : i32, i32
  }
  func.func @transform_12(%arg0: i32) -> (i32, i32) {
    %c0_i32 = arith.constant 0 : i32
    %c0_i32_0 = arith.constant 0 : i32
    %c0_i32_1 = arith.constant 0 : i32
    return %c0_i32, %c0_i32_0 : i32, i32
  }
  func.func @transform_13(%arg0: i32) -> (i32, i32) {
    %c0_i32 = arith.constant 0 : i32
    %c0_i32_0 = arith.constant 0 : i32
    %c0_i32_1 = arith.constant 0 : i32
    return %c0_i32, %c0_i32_0 : i32, i32
  }
  func.func @transform_14(%arg0: i32) -> (i32, i32) {
    %c0_i32 = arith.constant 0 : i32
    %c0_i32_0 = arith.constant 0 : i32
    %c0_i32_1 = arith.constant 0 : i32
    return %c0_i32, %c0_i32_0 : i32, i32
  }
  func.func @transform_15(%arg0: i32) -> (i32, i32) {
    %c0_i32 = arith.constant 0 : i32
    %c0_i32_0 = arith.constant 0 : i32
    %c0_i32_1 = arith.constant 0 : i32
    return %c0_i32, %c0_i32_0 : i32, i32
  }
  func.func @transform_16(%arg0: i32) -> (i32, i32) {
    %c0_i32 = arith.constant 0 : i32
    %c0_i32_0 = arith.constant 0 : i32
    %c0_i32_1 = arith.constant 0 : i32
    return %c0_i32, %c0_i32_0 : i32, i32
  }
  func.func @transform_17(%arg0: i32) -> (i32, i32) {
    %c0_i32 = arith.constant 0 : i32
    %c0_i32_0 = arith.constant 0 : i32
    %c0_i32_1 = arith.constant 0 : i32
    return %c0_i32, %c0_i32_0 : i32, i32
  }
  func.func @transform_18(%arg0: i32) -> (i32, i32) {
    %c0_i32 = arith.constant 0 : i32
    %c0_i32_0 = arith.constant 0 : i32
    %c0_i32_1 = arith.constant 0 : i32
    return %c0_i32, %c0_i32_0 : i32, i32
  }
  func.func @transform_19(%arg0: i32) -> (i32, i32) {
    %c0_i32 = arith.constant 0 : i32
    %c0_i32_0 = arith.constant 0 : i32
    %c0_i32_1 = arith.constant 0 : i32
    return %c0_i32, %c0_i32_0 : i32, i32
  }
  func.func @transform_20(%arg0: i32) -> (i32, i32) {
    %c0_i32 = arith.constant 0 : i32
    %c0_i32_0 = arith.constant 0 : i32
    %c0_i32_1 = arith.constant 0 : i32
    return %c0_i32, %c0_i32_0 : i32, i32
  }
  func.func @transform_21(%arg0: i32) -> (i32, i32) {
    %c0_i32 = arith.constant 0 : i32
    %c0_i32_0 = arith.constant 0 : i32
    %c0_i32_1 = arith.constant 0 : i32
    return %c0_i32, %c0_i32_0 : i32, i32
  }
  func.func @transform_22(%arg0: i32) -> (i32, i32) {
    %c0_i32 = arith.constant 0 : i32
    %c0_i32_0 = arith.constant 0 : i32
    return %arg0, %c0_i32 : i32, i32
  }
}

</mosaic_0001>

<sc_bundles>
// kernel: kernel.4.cloned.1.call-start
scs
__scs_entry_jumppad:
0x0: {  	(pc) =	sbr.rel $0x88, $3  }
0x1: {  	(tag) =	ssettag $0x0;
	lr =	simm.s32 $0x1  }
0x2: {  	[smem:$0x3F92] =	sst lr;
	_ =	strace $0xD0000000  }
0x3: {  	_ = 	snop  }
0x4: {  	_ = 	snop  }
0x5: {  	_ = 	snop  }
0x6: {  	_ = 	snop  }
0x7: {  	_ = 	snop  }
__scs_overlays_trampoline_lowered:
0x8: {  	[smem:$0x3FA1] =	sst s0  }
0x9: {  	[smem:$0x3FA2] =	sst s1  }
0xa: {  	[smem:$0x3FA3] =	sst s2  }
0xb: {  	[smem:$0x3FA4] =	sst s3  }
0xc: {  	[smem:$0x3FA5] =	sst s4  }
0xd: {  	[smem:$0x3FA6] =	sst s5  }
0xe: {  	[smem:$0x3FA7] =	sst s6  }
0xf: {  	[smem:$0x3FA8] =	sst s7  }
0x10: {  	[smem:$0x3FA9] =	sst s8  }
0x11: {  	[smem:$0x3FAA] =	sst s9;
	s0 =	simm.s32 @!p0 $0x0  }
0x12: {  	s1 =	sld [smem:$0x3F90];
	s0 =	simm.s32 @p0 $0x1  }
0x13: {  	[smem:$0x3FAB] =	sst s0;
	s0 =	simm.s32 @!p1 $0x0  }
0x14: {  	s2 =	sld [smem:$0x3F8F];
	s0 =	simm.s32 @p1 $0x1  }
0x15: {  	[smem:$0x3FAC] =	sst s0;
	s0 =	simm.s32 @!p2 $0x0  }
0x16: {  	s3 =	sld [smem:$0x3FDB];
	s0 =	simm.s32 @p2 $0x1  }
0x17: {  	s4 =	simm.s32 $0x1BF5;
	[smem:$0x3FAE] =	sst s0  }
0x18: {  	s0 =	sld [smem:$0x3F91];
	_ =	swait.ge [sflag:s4], $0x0  }
0x19: {  	s7 =	sld [smem:$0x3F92]  }
0x1a: {  	s8 =	sadd.s32 $0xFFFFE003, lr  }
0x1b: {  	s9 =	sadd.s32 $0xFFFFFEF7, lr;
	s5 =	simm.s32 $0xFFFFFFFF;
	p2 =	slt.u32 s8, $0xFFFFF086  }
0x1c: {  	p1 =	slt.u32 s9, $0xF7A;
	s5 =	simm.s32 @!p2 $0x0  }
0x1d: {  	s5 =	simm.s32 @p1 $0x1;
	p0 =	seq.s32 s7, s2  }
0x1e: {  	s7 =	smul.u32 @!p0 $0xF7A, s2;
	p2 =	seq.s32 @!p0 s5, $0x0  }
0x1f: {  	s9 =	smul.u32 $0xF7A, s1;
	s8 =	simm.s32 @!p0 $0x1BF5;
	p2 =	por !p2, p0  }
0x20: {  	[sflag:s8] =	ssyncset.s32 @!p0 $0xFFFFF086;
	s6 =	sadd.s32 @!p0 s3, s7;
	s7 =	simm.s32 @!p0 $0x108  }
0x21: {  	s3 =	sadd.s32 s3, s9;
	s6 =	sadd.s32 @!p0 $0x88, s6;
	s7 =	simm.s32 @p2 $0x1082  }
0x22: {  	[simem:s7], [sflag:s8] =	dma.local @!p0 [hbm:s6], $0xF7A  }
0x23: {  	s9 =	sor.u32 $0xD0000000, s2;
	s6 =	simm.s32 $0x108;
	_ =	swait.ge @!p0 [sflag:s8], $0x0  }
0x24: {  	s3 =	sadd.s32 $0x88, s3;
	s6 =	simm.s32 @!p1 $0x1082;
	[sflag:s4] =	ssyncset.s32 $0xFFFFF086  }
0x25: {  	[simem:s6], [sflag:s4] =	dma.local [hbm:s3], $0xF7A  }
0x26: {  	[smem:$0x3F92] =	sst s1;
	(tag) =	ssettag s2;
	_ =	strace s9  }
0x27: {  	s1 =	sld [smem:$0x3FA2]  }
0x28: {  	s2 =	sld [smem:$0x3FA3]  }
0x29: {  	s4 =	sld [smem:$0x3FA5]  }
0x2a: {  	p0 =	seq.s32 s5, $0x0;
	s5 =	sld [smem:$0x3FA6]  }
0x2b: {  	s6 =	sld [smem:$0x3FA7]  }
0x2c: {  	s7 =	sld [smem:$0x3FA8]  }
0x2d: {  	s3 =	simm.s32 $0x108;
	s8 =	sld [smem:$0x3FA9]  }
0x2e: {  	s3 =	simm.s32 @!p0 $0x1082;
	s9 =	sld [smem:$0x3FAA]  }
0x2f: {  	lr =	sadd.s32 s0, s3;
	s0 =	sld [smem:$0x3FA1]  }
0x30: {  	s3 =	sld [smem:$0x3FA4]  }
0x31: {  	[smem:$0x3FAD] =	sst s10  }
0x32: {  	s10 =	sld [smem:$0x3FAB];
	_ =	sdelay $0x3  }
0x33: {  	p0 =	seq.s32 s10, $0x1;
	s10 =	sld [smem:$0x3FAD];
	_ =	sdelay $0x3  }
0x34: {  	[smem:$0x3FAD] =	sst s10  }
0x35: {  	s10 =	sld [smem:$0x3FAC];
	_ =	sdelay $0x3  }
0x36: {  	p1 =	seq.s32 s10, $0x1;
	s10 =	sld [smem:$0x3FAD];
	_ =	sdelay $0x3  }
0x37: {  	[smem:$0x3FAD] =	sst s10  }
0x38: {  	s10 =	sld [smem:$0x3FAE]  }
0x39: {  	_ = 	snop;
	(pc) =	sbr.ind lr, $3  }
0x3a: {  	_ = 	snop  }
0x3b: {  	_ = 	snop  }
0x3c: {  	p2 =	seq.s32 s10, $0x1;
	s10 =	sld [smem:$0x3FAD]  }
0x3d: {  	_ =	shalt  }
0x3e: {  	_ =	shalt  }
0x3f: {  	_ =	shalt  }
0x40: {  	_ =	shalt  }
0x41: {  	_ =	shalt  }
0x42: {  	_ =	shalt  }
0x43: {  	_ =	shalt  }
0x44: {  	_ =	shalt  }
0x45: {  	_ =	shalt  }
0x46: {  	_ =	shalt  }
0x47: {  	_ =	shalt  }
0x48: {  	_ =	shalt  }
0x49: {  	_ =	shalt  }
0x4a: {  	_ =	shalt  }
0x4b: {  	_ =	shalt  }
0x4c: {  	_ =	shalt  }
0x4d: {  	_ =	shalt  }
0x4e: {  	_ =	shalt  }
0x4f: {  	_ =	shalt  }
0x50: {  	_ =	shalt  }
0x51: {  	_ =	shalt  }
0x52: {  	_ =	shalt  }
0x53: {  	_ =	shalt  }
0x54: {  	_ =	shalt  }
0x55: {  	_ =	shalt  }
0x56: {  	_ =	shalt  }
0x57: {  	_ =	shalt  }
0x58: {  	_ =	shalt  }
0x59: {  	_ =	shalt  }
0x5a: {  	_ =	shalt  }
0x5b: {  	_ =	shalt  }
0x5c: {  	_ =	shalt  }
0x5d: {  	_ =	shalt  }
0x5e: {  	_ =	shalt  }
0x5f: {  	_ =	shalt  }
0x60: {  	_ =	shalt  }
0x61: {  	_ =	shalt  }
0x62: {  	_ =	shalt  }
0x63: {  	_ =	shalt  }
0x64: {  	_ =	shalt  }
0x65: {  	_ =	shalt  }
0x66: {  	_ =	shalt  }
0x67: {  	_ =	shalt  }
0x68: {  	_ =	shalt  }
0x69: {  	_ =	shalt  }
0x6a: {  	_ =	shalt  }
0x6b: {  	_ =	shalt  }
0x6c: {  	_ =	shalt  }
0x6d: {  	_ =	shalt  }
0x6e: {  	_ =	shalt  }
0x6f: {  	_ =	shalt  }
0x70: {  	_ =	shalt  }
0x71: {  	_ =	shalt  }
0x72: {  	_ =	shalt  }
0x73: {  	_ =	shalt  }
0x74: {  	_ =	shalt  }
0x75: {  	_ =	shalt  }
0x76: {  	_ =	shalt  }
0x77: {  	_ =	shalt  }
0x78: {  	_ =	shalt  }
0x79: {  	_ =	shalt  }
0x7a: {  	_ =	shalt  }
0x7b: {  	_ =	shalt  }
0x7c: {  	_ =	shalt  }
0x7d: {  	_ =	shalt  }
0x7e: {  	_ =	shalt  }
0x7f: {  	_ =	shalt  }
0x80: {  	_ =	shalt  }
0x81: {  	_ =	shalt  }
0x82: {  	_ =	shalt  }
0x83: {  	_ =	shalt  }
0x84: {  	_ =	shalt  }
0x85: {  	_ =	shalt  }
0x86: {  	_ =	shalt  }
0x87: {  	_ =	shalt  }
.Lfunc_end0:
.L_simem_size_0:
called_computation_lowered:
.L_overlay_start_0:
0x88: {  	s2 =	sld [smem:$0x3FD9]  }
0x89: {  	s3 =	sld [smem:$0x3FFE];
	_ =	sdelay $0x1  }
0x8a: {  	s1 =	srdreg.scid  }
0x8b: {  	s0 =	sand.u32 $0x1, s1  }
0x8c: {  	s17 =	sshll.u32 s0, $0xA;
	s2 =	sadd.s32 s3, s2  }
0x8d: {  	s2 =	sadd.s32 s2, s17  }
0x8e: {  	[smem:$0x3FB9] =	sst s2  }
0x8f: {  	_ = 	snop  }
0x90: {  	s2 =	sld [smem:$0x3FD0];
	(tm) =	ssettm $0x1  }
0x91: {  	s18 =	sld [smem:$0x3FFB];
	_ =	sdelay $0x3  }
0x92: {  	_ =	strace s18  }
0x93: {  	s3 =	sld [smem:$0x3FFC];
	_ =	sdelay $0x3  }
0x94: {  	_ =	strace s3  }
0x95: {  	s3 =	sld [smem:$0x3FFD];
	_ =	sdelay $0x3  }
0x96: {  	_ =	strace s3  }
0x97: {  	_ =	strace $0x8FFFFFFF  }
0x98: {  	s19 =	sld [smem:$0x3FDB];
	_ =	sdelay $0x1  }
0x99: {  	s4 =	simm.s32 $_scs_section_size  }
0x9a: {  	s5 =	simm.s32 $_size__tile_overlayer_lowered;
	s6 =	simm.s32 $_tile_overlayer_lowered  }
0x9b: {  	s22 =	simm.s32 $0x1BFF;
	s21 =	sshll.u32 s6, $0x1;
	s3 =	sadd.s32 s4, s19  }
0x9c: {  	s7 =	simm.s32 $0x0;
	s20 =	sshll.u32 s5, $0x1;
	s5 =	sadd.s32 s21, s3  }
0x9d: {  	[timem:s7], [sflag:s22] =	dma.local [hbm:s5], s20  }
0x9e: {  	_ =	swait.ge [sflag:s22], s20  }
0x9f: {  	s4 =	ssub.s32 $0x0, s20;
	[sflag:s22] =	ssyncset.done $0x0  }
0xa0: {  	[sflag:s22] =	ssyncadd.s32 s4;
	_ =	sdelay $0x1  }
0xa1: {  	s23 =	simm.s32 $0x1B8B  }
0xa2: {  	_ =	swait.ge [sflag:s23], $0x1  }
0xa3: {  	[sflag:s23] =	ssyncset.done $0x0  }
0xa4: {  	s25 =	simm.s32 $0x1B8E;
	s24 =	sld [smem:$0x3FFE];
	[sflag:s23] =	ssyncadd.s32 $0xFFFFFFFF  }
0xa5: {  	s26 =	simm.s32 $execute0_lowered;
	[smem:$0x3FD2] =	sst s25  }
0xa6: {  	s5 =	sshll.u32 s26, $0x1;
	_ =	strace $0x80000046;
	[dreg:$0x1] =	wrdreg $0xFFFFFFFF  }
0xa7: {  	s28 =	simm.s32 $_size_execute0_lowered;
	s3 =	sadd.s32 s3, s5;
	[dreg:$0x0] =	wrdreg $0x0  }
0xa8: {  	s5 =	sshll.u32 s28, $0x1;
	[dreg:$0x2] =	wrdreg s3  }
0xa9: {  	[dreg:$0x3] =	wrdreg s5  }
0xaa: {  	[dreg:$0x4] =	wrdreg $0xC0  }
0xab: {  	_ =	task [dreg:s7], $0x5FFFF  }
0xac: {  	[dreg:$0x1] =	wrdreg $0xFFFFFFFF  }
0xad: {  	[dreg:$0x0] =	wrdreg $0x60  }
0xae: {  	[dreg:$0x2] =	wrdreg s24  }
0xaf: {  	[dreg:$0x3] =	wrdreg s2  }
0xb0: {  	[dreg:$0x4] =	wrdreg $0x9  }
0xb1: {  	_ =	task.clear_ibuf [dreg:s7], $0x5FFFF;
	_ =	strace $0x90000046  }
0xb2: {  	s29 =	simm.s32 $0x9;
	_ =	strace $0x80000048  }
0xb3: {  	_ =	swait.ge [sflag:s29], $0x1  }
0xb4: {  	[sflag:s29] =	ssyncadd.s32 $0xFFFFFFFF  }
0xb5: {  	_ =	strace $0x90000048  }
0xb6: {  	_ =	sfence  }
0xb7: {  	s30 =	sld [smem:$0x0];
	_ =	sdelay $0x2  }
0xb8: {  	s31 =	sshll.u32 s1, $0xD;
	s1 =	sshrl.u32 s1, $0x2  }
0xb9: {  	s3 =	sand.u32 $0x4000, s31;
	s1 =	sadd.s32 s1, s30  }
0xba: {  	s0 =	sor.u32 s3, s0;
	s1 =	sshll.u32 s1, $0x11  }
0xbb: {  	s0 =	sor.u32 s1, s0  }
0xbc: {  	s0 =	sadd.s32 $0x8F2B, s0  }
0xbd: {  	[sflag:s0] =	ssyncadd.remote.s32 $0x1  }
0xbe: {  	_ =	sfence.sel $0xFFFF  }
0xbf: {  	[dreg:$0x0] =	wrdreg $0xFFFFFFFF;
	(pc) =	sbr.abs _section_cstart, $3  }
0xc0: {  	[dreg:$0x1] =	wrdreg $0xFFFFFFFF  }
0xc1: {  	_ =	task.clear_ibuf [dreg:s7], $0x2FFFF;
	_ =	strace $0x9FFFFFFF  }
0xc2: {  	(tm) =	ssettm $0x7FFFFFFF  }
0xc3: {  	_ =	shalt  }
tec
execute0_lowered:
.L_overlay_start_1:
0x0: {  	(tag) =	ssettag $0x1  }
0x1: {  	s4 =	rddreg [dreg:$0x0]  }
0x2: {  	s6 =	rddreg [dreg:$0x1]  }
0x3: {  	s0 =	rddreg [dreg:$0x2];
	s2 =	simm.s32 $0x0  }
0x4: {  	s1 =	stileid.u32;
	s3 =	srdreg.scid;
	s11 =	simm.s32 $0x1880  }
0x5: {  	s12 =	simm.s32 $0x2080;
	s13 =	simm.s32 $0x2880;
	s14 =	simm.s32 $0x3080  }
0x6: {  	s15 =	simm.s32 $0x3880;
	s16 =	simm.s32 $0x4080;
	s17 =	simm.s32 $0x4880  }
0x7: {  	s18 =	simm.s32 $0x5080;
	s19 =	simm.s32 $0x5880;
	s20 =	simm.s32 $0x6080  }
0x8: {  	s21 =	simm.s32 $0x6880;
	s22 =	simm.s32 $0x7080;
	s23 =	simm.s32 $0x7880  }
0x9: {  	s24 =	simm.s32 $0x1;
	s25 =	simm.s32 $0x0;
	[smem:$0x7FF] =	sst s2  }
0xa: {  	s5 =	sshll.u32 s1, $0x11;
	s7 =	sand.u32 $0x1, s3;
	s3 =	sadd.s32 $0x2000, s4  }
0xb: {  	s9 =	sshll.u32 s1, $0xC;
	_ =	strace $0x80000047;
	s5 =	sadd.s32 s5, s4  }
0xc: {  	s29 =	ssub.s32 $0x2, s7;
	s10 =	sshll.u32 s7, $0xB;
	s7 =	sshll.u32 s7, $0x10  }
0xd: {  	s8 =	sshrl.u32 s29, $0x1;
	s30 =	sor.u32 s10, s9;
	s5 =	sadd.s32 s7, s5  }
0xe: {  	v2 =	vlaneseq.u32;
	s7 =	simm.s32 $0x2;
	s9 =	simm.s32 $0x880;
	s10 =	simm.s32 $0x1080  }
0xf: {  	vm0 =	vmmov $0xffff;
	v1 =	vshrl.u32 v2, $0x3;
	s4 =	ssub.s32 s29, s8;
	s31 =	sshrl.u32 s30, $0x3;
	s5 =	sadd.s32 $0x22000, s5  }
0x10: {  	v0 =	vand.u32 $0x7, v2;
	v2 =	vor.u32 $0x8, v2;
	v1 =	vmul.u32 $0x8, v1;
	s8 =	simm.s32 $0x80;
	s4 =	smax.u32 s4, $0x1;
	s6 =	sadd.s32 s31, s6  }
.LBB2_1:
0x11: {  	s26 =	smov.u32 s5;
	s28 =	simm.s32 $0x0  }
.LBB2_2:
0x12: {  	s29 =	sadd.s32 s28, s6  }
0x13: {  	[tilespmem:s2], [sflag:$0x2] =	stream.linear.gather [hbm4b:s29+s2], $0x80, $0x38;
	[tilespmem:$0x8080] =	vst v63  }
0x14: {  	_ =	swait.ge [sflag:s7], $0x80  }
0x15: {  	[sflag:s7] =	ssyncset.done $0x0  }
0x16: {  	[sflag:s7] =	ssyncadd.s32 $0xFFFFFF80  }
0x17: {  	v3 =	vld [tilespmem:$0x0];
	_ =	sdelay $0x4  }
0x18: {  	v4 =	vshll.u32 v3, $0x1  }
0x19: {  	v3 =	vand.u32 $0x7, v3;
	v4 =	vand.u32 $0xFFFFFFF0, v4  }
0x1a: {  	v3 =	vor.u32 v3, v4  }
0x1b: {  	v4 =	vperm.xlane v3, v0;
	_ =	sdelay $0x1  }
0x1c: {  	v3 =	vperm.xlane v3, v2;
	v4 =	vadd.s32 v1, v4;
	_ =	sdelay $0x1  }
0x1d: {  	v3 =	vadd.s32 v1, v3;
	_ =	sdelay $0x2  }
0x1e: {  	[tilespmem:s8], [sflag:$0x1] =	stream.indirect_vreg.gather [hbm4b:s3+s2], $0x80, v4, vm0, $0xb8;
	[tilespmem:$0x8080] =	vst v63  }
0x1f: {  	_ = 	snop  }
0x20: {  	[tilespmem:s9], [sflag:$0x1] =	stream.indirect_vreg.gather [hbm4b:s3+s2], $0x80, v3, vm0, $0xb8;
	[tilespmem:$0x8080] =	vst v63  }
0x21: {  	v3 =	vld [tilespmem:$0x10];
	_ =	sdelay $0x4  }
0x22: {  	v57 =	vshll.u32 v3, $0x1  }
0x23: {  	v3 =	vand.u32 $0x7, v3;
	v4 =	vand.u32 $0xFFFFFFF0, v57  }
0x24: {  	v3 =	vor.u32 v3, v4  }
0x25: {  	v4 =	vperm.xlane v3, v0;
	_ =	sdelay $0x1  }
0x26: {  	v3 =	vperm.xlane v3, v2;
	v4 =	vadd.s32 v1, v4;
	_ =	sdelay $0x1  }
0x27: {  	v3 =	vadd.s32 v1, v3;
	_ =	sdelay $0x2  }
0x28: {  	[tilespmem:s10], [sflag:$0x1] =	stream.indirect_vreg.gather [hbm4b:s3+s2], $0x80, v4, vm0, $0xb8;
	[tilespmem:$0x8080] =	vst v63  }
0x29: {  	_ = 	snop  }
0x2a: {  	[tilespmem:s11], [sflag:$0x1] =	stream.indirect_vreg.gather [hbm4b:s3+s2], $0x80, v3, vm0, $0xb8;
	[tilespmem:$0x8080] =	vst v63  }
0x2b: {  	v3 =	vld [tilespmem:$0x20];
	_ =	sdelay $0x4  }
0x2c: {  	v58 =	vshll.u32 v3, $0x1  }
0x2d: {  	v3 =	vand.u32 $0x7, v3;
	v4 =	vand.u32 $0xFFFFFFF0, v58  }
0x2e: {  	v3 =	vor.u32 v3, v4  }
0x2f: {  	v4 =	vperm.xlane v3, v0;
	_ =	sdelay $0x1  }
0x30: {  	v3 =	vperm.xlane v3, v2;
	v4 =	vadd.s32 v1, v4;
	_ =	sdelay $0x1  }
0x31: {  	v3 =	vadd.s32 v1, v3;
	_ =	sdelay $0x2  }
0x32: {  	[tilespmem:s12], [sflag:$0x1] =	stream.indirect_vreg.gather [hbm4b:s3+s2], $0x80, v4, vm0, $0xb8;
	[tilespmem:$0x8080] =	vst v63  }
0x33: {  	_ = 	snop  }
0x34: {  	[tilespmem:s13], [sflag:$0x1] =	stream.indirect_vreg.gather [hbm4b:s3+s2], $0x80, v3, vm0, $0xb8;
	[tilespmem:$0x8080] =	vst v63  }
0x35: {  	v3 =	vld [tilespmem:$0x30];
	_ =	sdelay $0x4  }
0x36: {  	v59 =	vshll.u32 v3, $0x1  }
0x37: {  	v3 =	vand.u32 $0x7, v3;
	v4 =	vand.u32 $0xFFFFFFF0, v59  }
0x38: {  	v3 =	vor.u32 v3, v4  }
0x39: {  	v4 =	vperm.xlane v3, v0;
	_ =	sdelay $0x1  }
0x3a: {  	v3 =	vperm.xlane v3, v2;
	v4 =	vadd.s32 v1, v4;
	_ =	sdelay $0x1  }
0x3b: {  	v3 =	vadd.s32 v1, v3;
	_ =	sdelay $0x2  }
0x3c: {  	[tilespmem:s14], [sflag:$0x1] =	stream.indirect_vreg.gather [hbm4b:s3+s2], $0x80, v4, vm0, $0xb8;
	[tilespmem:$0x8080] =	vst v63  }
0x3d: {  	_ = 	snop  }
0x3e: {  	[tilespmem:s15], [sflag:$0x1] =	stream.indirect_vreg.gather [hbm4b:s3+s2], $0x80, v3, vm0, $0xb8;
	[tilespmem:$0x8080] =	vst v63  }
0x3f: {  	v3 =	vld [tilespmem:$0x40];
	_ =	sdelay $0x4  }
0x40: {  	v60 =	vshll.u32 v3, $0x1  }
0x41: {  	v3 =	vand.u32 $0x7, v3;
	v4 =	vand.u32 $0xFFFFFFF0, v60  }
0x42: {  	v3 =	vor.u32 v3, v4  }
0x43: {  	v4 =	vperm.xlane v3, v0;
	_ =	sdelay $0x1  }
0x44: {  	v3 =	vperm.xlane v3, v2;
	v4 =	vadd.s32 v1, v4;
	_ =	sdelay $0x1  }
0x45: {  	v3 =	vadd.s32 v1, v3;
	_ =	sdelay $0x2  }
0x46: {  	[tilespmem:s16], [sflag:$0x1] =	stream.indirect_vreg.gather [hbm4b:s3+s2], $0x80, v4, vm0, $0xb8;
	[tilespmem:$0x8080] =	vst v63  }
0x47: {  	_ = 	snop  }
0x48: {  	[tilespmem:s17], [sflag:$0x1] =	stream.indirect_vreg.gather [hbm4b:s3+s2], $0x80, v3, vm0, $0xb8;
	[tilespmem:$0x8080] =	vst v63  }
0x49: {  	v3 =	vld [tilespmem:$0x50];
	_ =	sdelay $0x4  }
0x4a: {  	v61 =	vshll.u32 v3, $0x1  }
0x4b: {  	v3 =	vand.u32 $0x7, v3;
	v4 =	vand.u32 $0xFFFFFFF0, v61  }
0x4c: {  	v3 =	vor.u32 v3, v4  }
0x4d: {  	v4 =	vperm.xlane v3, v0;
	_ =	sdelay $0x1  }
0x4e: {  	v3 =	vperm.xlane v3, v2;
	v4 =	vadd.s32 v1, v4;
	_ =	sdelay $0x1  }
0x4f: {  	v3 =	vadd.s32 v1, v3;
	_ =	sdelay $0x2  }
0x50: {  	[tilespmem:s18], [sflag:$0x1] =	stream.indirect_vreg.gather [hbm4b:s3+s2], $0x80, v4, vm0, $0xb8;
	[tilespmem:$0x8080] =	vst v63  }
0x51: {  	_ = 	snop  }
0x52: {  	[tilespmem:s19], [sflag:$0x1] =	stream.indirect_vreg.gather [hbm4b:s3+s2], $0x80, v3, vm0, $0xb8;
	[tilespmem:$0x8080] =	vst v63  }
0x53: {  	v3 =	vld [tilespmem:$0x60];
	_ =	sdelay $0x4  }
0x54: {  	v62 =	vshll.u32 v3, $0x1  }
0x55: {  	v3 =	vand.u32 $0x7, v3;
	v4 =	vand.u32 $0xFFFFFFF0, v62  }
0x56: {  	v3 =	vor.u32 v3, v4  }
0x57: {  	v4 =	vperm.xlane v3, v0;
	_ =	sdelay $0x1  }
0x58: {  	v3 =	vperm.xlane v3, v2;
	v4 =	vadd.s32 v1, v4;
	_ =	sdelay $0x1  }
0x59: {  	v3 =	vadd.s32 v1, v3;
	_ =	sdelay $0x2  }
0x5a: {  	[tilespmem:s20], [sflag:$0x1] =	stream.indirect_vreg.gather [hbm4b:s3+s2], $0x80, v4, vm0, $0xb8;
	[tilespmem:$0x8080] =	vst v63  }
0x5b: {  	_ = 	snop  }
0x5c: {  	[tilespmem:s21], [sflag:$0x1] =	stream.indirect_vreg.gather [hbm4b:s3+s2], $0x80, v3, vm0, $0xb8;
	[tilespmem:$0x8080] =	vst v63  }
0x5d: {  	v3 =	vld [tilespmem:$0x70];
	_ =	sdelay $0x4  }
0x5e: {  	v63 =	vshll.u32 v3, $0x1  }
0x5f: {  	v3 =	vand.u32 $0x7, v3;
	v4 =	vand.u32 $0xFFFFFFF0, v63  }
0x60: {  	v3 =	vor.u32 v3, v4  }
0x61: {  	v4 =	vperm.xlane v3, v0;
	_ =	sdelay $0x1  }
0x62: {  	v3 =	vperm.xlane v3, v2;
	v4 =	vadd.s32 v1, v4;
	_ =	sdelay $0x1  }
0x63: {  	v3 =	vadd.s32 v1, v3;
	_ =	sdelay $0x2  }
0x64: {  	[tilespmem:s22], [sflag:$0x1] =	stream.indirect_vreg.gather [hbm4b:s3+s2], $0x80, v4, vm0, $0xb8;
	[tilespmem:$0x8080] =	vst v63  }
0x65: {  	_ = 	snop  }
0x66: {  	[tilespmem:s23], [sflag:$0x1] =	stream.indirect_vreg.gather [hbm4b:s3+s2], $0x80, v3, vm0, $0xb8;
	[tilespmem:$0x8080] =	vst v63  }
0x67: {  	_ =	swait.ge [sflag:s24], $0x8000  }
0x68: {  	p0 =	sne.s32 s28, $0xF0;
	[sflag:s24] =	ssyncset.done $0x0  }
.Ltmp0:
0x69: {  	[sflag:s24] =	ssyncadd.s32 $0xFFFF8000;
	(pc) =	sbr.rel @p0 .LBB2_2-.Ltmp0, $4  }
0x6a: {  	[hbm4b:s26+s2] =	stream.linear.scatter [tilespmem:s8], [sflag:$0x2], $0x8000, $0x38;
	[tilespmem:$0x8080] =	vst v63  }
0x6b: {  	_ =	swait.ge [sflag:s7], $0x8000  }
0x6c: {  	[sflag:s7] =	ssyncset.done $0x0  }
0x6d: {  	s28 =	sadd.s32 $0x10, s28;
	s26 =	sadd.s32 $0x1000, s26;
	[sflag:s7] =	ssyncadd.s32 $0xFFFF8000  }
0x6e: {  	s25 =	sadd.s32 $0x1, s25  }
0x6f: {  	p0 =	sne.s32 s25, s4  }
.Ltmp1:
0x70: {  	_ = 	snop;
	(pc) =	sbr.rel @p0 .LBB2_1-.Ltmp1, $1  }
0x71: {  	_ =	sdelay $0x3  }
0x72: {  	_ =	sfence.sel $0x180000  }
0x73: {  	[bflag:$0x0] =	sbarrier.arrive $0xFFFF  }
0x74: {  	p0 =	sne.s32 s1, $0x0;
	_ =	strace $0x90000047  }
0x75: {  	s0 =	sadd.s32 @!p0 $0x100000, s0;
	[bflag:$0x2] =	sbarrier.arrive $0xFFFF  }
0x76: {  	[sflag:s0] =	ssyncadd.tile.s32 @!p0 $0x1;
	_ =	shalt  }
.Lfunc_end2:
_tile_overlayer_lowered:
.L_overlay_start_2:
0x77: {  	(tag) =	ssettag $0x2  }
0x78: {  	s0 =	rddreg [dreg:$0x0];
	s2 =	stileid.u32  }
0x79: {  	s1 =	rddreg [dreg:$0x1];
	p0 =	sne.s32 s2, $0x0  }
0x7a: {  	s3 =	rddreg [dreg:$0x2];
	[bflag:$0x3] =	sbarrier.arrive $0xFFFF;
	s2 =	simm.s32 @!p0 $0x1C02  }
0x7b: {  	[timem:s3], [sflag:s2] =	dma.local @!p0 [hbm:s0], s1  }
0x7c: {  	s0 =	simm.s32 @!p0 $0x2  }
0x7d: {  	_ =	swait.ge @!p0 [sflag:s0], s1  }
0x7e: {  	s1 =	ssub.s32 @!p0 $0x0, s1;
	[sflag:s0] =	ssyncset.done @!p0 $0x0  }
0x7f: {  	[sflag:s0] =	ssyncadd.s32 @!p0 s1  }
0x80: {  	[bflag:$0x3] =	sbarrier.arrive $0xFFFF  }
0x81: {  	_ =	shalt  }

</sc_bundles>
